<compile_context>
chip_gen: v7x
topology: tpu7x:2x2x1
jax: 0.10.2.dev20260603
libtpu: 0.0.44.dev20260713+nightly
codegen_flags: <defaults>
</compile_context>

<pallas_src>
import jax
import jax.numpy as jnp
from jax.experimental import pallas as pl
from jax.experimental.pallas import tpu as pltpu

N = 10000
D = 128
KN = 32
RB = 64
NRP = ((N + RB - 1) // RB) * RB
NP = 10240
RB2 = 256
NVP = ((N + RB2 - 1) // RB2) * RB2


_NEG = -3.0e38


def _simtopk_body(fn_ref, fnt_ref, idx_ref, s_ref):
    s = jax.lax.dot_general(fn_ref[...], fnt_ref[...],
                            (((1,), (0,)), ((), ())),
                            preferred_element_type=jnp.float32)
    col = jax.lax.broadcasted_iota(jnp.int32, s.shape, 1)
    s_ref[...] = jnp.where(col < N, s, _NEG)

    kcol = jax.lax.broadcasted_iota(jnp.int32, (RB, KN), 1)

    def body(k, acc):
        s = s_ref[...]
        m = jnp.max(s, axis=1, keepdims=True)
        cand = jnp.where(s == m, col, NP)
        c = jnp.min(cand, axis=1, keepdims=True)
        acc = jnp.where(kcol == k, c, acc)
        s_ref[...] = jnp.where(col == c, _NEG, s)
        return acc

    idx_ref[...] = jax.lax.fori_loop(
        0, KN, body, jnp.zeros((RB, KN), jnp.int32))


def _simtopk(fn, fnt):
    return pl.pallas_call(
        _simtopk_body,
        grid=(NRP // RB,),
        in_specs=[
            pl.BlockSpec((RB, D), lambda i: (i, 0)),
            pl.BlockSpec((D, NP), lambda i: (0, 0)),
        ],
        out_specs=pl.BlockSpec((RB, KN), lambda i: (i, 0)),
        out_shape=jax.ShapeDtypeStruct((NRP, KN), jnp.int32),
        scratch_shapes=[pltpu.VMEM((RB, NP), jnp.float32)],
    )(fn, fnt)


def kernel(ids, feats, edge_dict, epo, vcn_kk_w, vcn_kk_b, vcn_k1_w, vcn_k1_b,
           ec_w1, ec_b1, ec_w2, ec_b2, fc_w, fc_b):
    norms = jnp.sqrt(jnp.sum(feats * feats, axis=1, keepdims=True)) + 1e-12
    fn = feats / norms
    fn_pad = jnp.pad(fn, ((0, NRP - N), (0, 0)))
    fnt = jnp.pad(fn.T, ((0, 0), (0, NP - N)))
    idx_full = _simtopk(fn_pad, fnt)
    idx = idx_full[:N][ids]

    nearest = feats[idx.reshape(-1)].reshape(N, KN, D)
    Wr = vcn_kk_w.reshape(KN, KN, D)
    convd = jnp.einsum('nid,ijd->nij', nearest, Wr) + vcn_kk_b.reshape(KN, KN)
    mult = jax.nn.softmax(convd, axis=-1)
    cw = jnp.einsum('i,nij->nj', vcn_k1_w, mult)
    pooled = jnp.einsum('nj,njd->nd', cw, nearest) + vcn_k1_b
    out = jnp.maximum(pooled @ fc_w.T + fc_b, 0.0)
    return out

# --- scband reference (transcript-rebuilt; emitter-appended) ---
"""Pipeline reference for scband-dhglayer-23648089932276 (READ-ONLY COPY).

The authoritative reference and input builder live on the scoring server;
editing this copy changes nothing except your own understanding.
"""

import jax, jax.numpy as jnp
import numpy as np

N = 10000
DIM_IN = 128
DIM_OUT = 128
KN = 32
HIDDEN = DIM_IN // 4


def setup_inputs(seed: int = 0) -> dict:
    key = jax.random.key(seed)
    ks = jax.random.split(key, 12)
    s = 0.05
    feats = jax.random.normal(ks[0], (N, DIM_IN), dtype=jnp.float32)
    ids = jnp.arange(N, dtype=jnp.int32)
    edge_dict = jax.random.randint(ks[1], (N, 32), 0, N)
    epo = 1
    vcn_kk_w = jax.random.normal(ks[2], (KN * KN, DIM_IN), dtype=jnp.float32) * s
    vcn_kk_b = jax.random.normal(ks[3], (KN * KN,), dtype=jnp.float32) * s
    vcn_k1_w = jax.random.normal(ks[4], (KN,), dtype=jnp.float32) * s
    vcn_k1_b = jax.random.normal(ks[5], (1,), dtype=jnp.float32) * s
    ec_w1 = jax.random.normal(ks[6], (HIDDEN, DIM_IN), dtype=jnp.float32) * s
    ec_b1 = jax.random.normal(ks[7], (HIDDEN,), dtype=jnp.float32) * s
    ec_w2 = jax.random.normal(ks[8], (1, HIDDEN), dtype=jnp.float32) * s
    ec_b2 = jax.random.normal(ks[9], (1,), dtype=jnp.float32) * s
    fc_w = jax.random.normal(ks[10], (DIM_OUT, DIM_IN), dtype=jnp.float32) * s
    fc_b = jax.random.normal(ks[11], (DIM_OUT,), dtype=jnp.float32) * s
    return {"ids": ids, "feats": feats, "edge_dict": edge_dict, "epo": epo,
            "vcn_kk_w": vcn_kk_w, "vcn_kk_b": vcn_kk_b, "vcn_k1_w": vcn_k1_w, "vcn_k1_b": vcn_k1_b,
            "ec_w1": ec_w1, "ec_b1": ec_b1, "ec_w2": ec_w2, "ec_b2": ec_b2,
            "fc_w": fc_w, "fc_b": fc_b}


def reference(ids, feats, edge_dict, epo, vcn_kk_w, vcn_kk_b, vcn_k1_w, vcn_k1_b,
              ec_w1, ec_b1, ec_w2, ec_b2, fc_w, fc_b):
    # epo=1: only the knn branch is active (epo >= wu_knn=0; epo < wu_kmeans so
    # cluster_select and structure_select branches are skipped, matching torch).
    n = feats.shape[0]
    d = feats.shape[1]
    # nearest_select: cosine similarity matrix + topk
    norms = jnp.sqrt(jnp.sum(feats * feats, axis=1, keepdims=True)) + 1e-12
    fn = feats / norms
    dis = fn @ fn.T  # (N, N)
    _, idx = jax.lax.top_k(dis, KN)  # (N, KN)
    idx = idx[ids]
    Nq = idx.shape[0]
    nearest_feats = feats[idx.reshape(-1)].reshape(Nq, KN, d)  # gather
    # VertexConv (Transform: grouped Conv1d(k, k*k, d, groups=k) -> softmax -> matmul)
    Wr = vcn_kk_w.reshape(KN, KN, d)
    convd = jnp.einsum('nid,ijd->nij', nearest_feats, Wr) + vcn_kk_b.reshape(KN, KN)
    multiplier = jax.nn.softmax(convd, axis=-1)
    transformed = jnp.matmul(multiplier, nearest_feats)  # (Nq, KN, d)
    # convK1: Conv1d(k, 1, 1)
    pooled = jnp.einsum('nkd,k->nd', transformed, vcn_k1_w) + vcn_k1_b  # (Nq, d)
    xn = pooled.reshape(Nq, 1, d)
    x = xn  # cat of single hyperedge
    # EdgeConv: per-edge MLP score, softmax over edges (1 edge), weighted sum
    h = jnp.maximum(x[:, 0] @ ec_w1.T + ec_b1, 0.0)
    s0 = h @ ec_w2.T + ec_b2  # (Nq, 1)
    scores = jax.nn.softmax(jnp.stack([s0], axis=1), axis=1)  # (Nq, 1, 1)
    xe = jnp.sum(scores * x, axis=1)  # (Nq, d)
    # _fc: dropout (eval -> identity), linear, relu activation
    out = jnp.maximum(xe @ fc_w.T + fc_b, 0.0)
    return out

if __name__ == "__main__":
    import jax
    _d = setup_inputs()
    print(jax.jit(kernel)(*tuple(_d.values())))

</pallas_src>

<mosaic_0001>
module attributes {stable_mosaic.version = 14 : i64} {
  func.func @_simtopk_body(%arg0: i32, %arg1: memref<64x128xf32, #tpu.memory_space<vmem>>, %arg2: memref<128x10240xf32, #tpu.memory_space<vmem>>, %arg3: memref<64x32xi32, #tpu.memory_space<vmem>>, %arg4: memref<64x10240xf32, #tpu.memory_space<vmem>>) attributes {dimension_semantics = [#tpu.dimension_semantics<arbitrary>], iteration_bounds = array<i64: 157>, scalar_prefetch = 0 : i64, scratch_operands = 1 : i64, tpu.core_type = #tpu.core_type<tc>, window_params = [{transform_indices = @transform_0, window_bounds = array<i64: 64, 128>}, {pipeline_mode = #tpu.pipeline_mode<synchronous>, transform_indices = @transform_1, window_bounds = array<i64: 128, 10240>}, {transform_indices = @transform_2, window_bounds = array<i64: 64, 32>}]} {
    %get3A = arith.constant 0 : index
    %get3A_0 = arith.constant 0 : index
    %get3A_1 = vector.load %arg1[%get3A, %get3A_0] : memref<64x128xf32, #tpu.memory_space<vmem>>, vector<64x128xf32>
    %get3A_2 = arith.constant 0 : index
    %get3A_3 = arith.constant 0 : index
    %get3A_4 = vector.load %arg2[%get3A_2, %get3A_3] : memref<128x10240xf32, #tpu.memory_space<vmem>>, vector<128x10240xf32>
    %dot_general3A = arith.constant dense<0.000000e+00> : vector<64x10240xf32>
    %dot_general3A_5 = tpu.matmul %get3A_1, %get3A_4, %dot_general3A {dimension_numbers = #tpu.dot_dimension_numbers<[1], [0], [0], [1], [0, 0, 1, 1], [], []>, transpose_lhs_hint = false} : vector<64x128xf32>, vector<128x10240xf32>, vector<64x10240xf32> -> vector<64x10240xf32>
    %iota3A = tpu.iota {dimensions = array<i32: 1>} : vector<64x10240xi32>
    %lt3A = arith.constant 10000 : i32
    %lt3A_6 = vector.broadcast %lt3A : i32 to vector<64x10240xi32>
    %lt3A_7 = arith.cmpi slt, %iota3A, %lt3A_6 : vector<64x10240xi32>
    %jit3A = arith.constant -3.000000e+38 : f32
    %broadcast_in_dim3A = vector.broadcast %jit3A : f32 to vector<64x10240xf32>
    %select_n3A = arith.select %lt3A_7, %dot_general3A_5, %broadcast_in_dim3A : vector<64x10240xi1>, vector<64x10240xf32>
    %swap3A = arith.constant 0 : index
    %swap3A_8 = arith.constant 0 : index
    %swap3A_9 = vector.load %arg4[%swap3A, %swap3A_8] : memref<64x10240xf32, #tpu.memory_space<vmem>>, vector<64x10240xf32>
    tpu.vector_store %arg4[%swap3A, %swap3A_8], %select_n3A {strides = array<i32>} : memref<64x10240xf32, #tpu.memory_space<vmem>>, vector<64x10240xf32>,
    %iota3A_10 = tpu.iota {dimensions = array<i32: 1>} : vector<64x32xi32>
    %broadcast_in_dim3A_11 = arith.constant 0 : i32
    %broadcast_in_dim3A_12 = vector.broadcast %broadcast_in_dim3A_11 : i32 to vector<64x32xi32>
    %scan3A = arith.constant 0 : i32
    %scan3A_13 = arith.constant 32 : i32
    %scan3A_14 = arith.addi %scan3A, %scan3A_13 : i32
    %scan3A_15 = arith.constant 1 : i32
    %scan3A_16 = scf.for %scan3A_21 = %scan3A to %scan3A_14 step %scan3A_15 iter_args(%scan3A_22 = %broadcast_in_dim3A_12) -> (vector<64x32xi32>)  : i32 {
      %get3A_23 = arith.constant 0 : index
      %get3A_24 = arith.constant 0 : index
      %get3A_25 = vector.load %arg4[%get3A_23, %get3A_24] : memref<64x10240xf32, #tpu.memory_space<vmem>>, vector<64x10240xf32>
      %reduce_max3A = arith.constant dense<0xFF800000> : vector<64xf32>
      %reduce_max3A_26 = vector.multi_reduction <maximumf>, %get3A_25, %reduce_max3A [1] : vector<64x10240xf32> to vector<64xf32>
      %broadcast_in_dim3A_27 = vector.shape_cast %reduce_max3A_26 : vector<64xf32> to vector<64x1xf32>
      %eq3A = vector.broadcast %broadcast_in_dim3A_27 : vector<64x1xf32> to vector<64x10240xf32>
      %eq3A_28 = arith.cmpf oeq, %get3A_25, %eq3A : vector<64x10240xf32>
      %jit3A_29 = arith.constant 10240 : i32
      %broadcast_in_dim3A_30 = vector.broadcast %jit3A_29 : i32 to vector<64x10240xi32>
      %select_n3A_31 = arith.select %eq3A_28, %iota3A, %broadcast_in_dim3A_30 : vector<64x10240xi1>, vector<64x10240xi32>
      %reduce_min3A = arith.constant dense<2147483647> : vector<64xi32>
      %reduce_min3A_32 = vector.multi_reduction <minsi>, %select_n3A_31, %reduce_min3A [1] : vector<64x10240xi32> to vector<64xi32>
      %broadcast_in_dim3A_33 = vector.shape_cast %reduce_min3A_32 : vector<64xi32> to vector<64x1xi32>
      %eq3A_34 = vector.broadcast %scan3A_21 : i32 to vector<64x32xi32>
      %eq3A_35 = arith.cmpi eq, %iota3A_10, %eq3A_34 : vector<64x32xi32>
      %broadcast_in_dim3A_36 = vector.shape_cast %broadcast_in_dim3A_33 : vector<64x1xi32> to vector<64x1xi32>
      %broadcast_in_dim3A_37 = vector.broadcast %broadcast_in_dim3A_36 : vector<64x1xi32> to vector<64x32xi32>
      %select_n3A_38 = arith.select %eq3A_35, %broadcast_in_dim3A_37, %scan3A_22 : vector<64x32xi1>, vector<64x32xi32>
      %eq3A_39 = vector.broadcast %broadcast_in_dim3A_33 : vector<64x1xi32> to vector<64x10240xi32>
      %eq3A_40 = arith.cmpi eq, %iota3A, %eq3A_39 : vector<64x10240xi32>
      %jit3A_41 = arith.constant -3.000000e+38 : f32
      %broadcast_in_dim3A_42 = vector.broadcast %jit3A_41 : f32 to vector<64x10240xf32>
      %select_n3A_43 = arith.select %eq3A_40, %broadcast_in_dim3A_42, %get3A_25 : vector<64x10240xi1>, vector<64x10240xf32>
      %swap3A_44 = arith.constant 0 : index
      %swap3A_45 = arith.constant 0 : index
      %swap3A_46 = vector.load %arg4[%swap3A_44, %swap3A_45] : memref<64x10240xf32, #tpu.memory_space<vmem>>, vector<64x10240xf32>
      tpu.vector_store %arg4[%swap3A_44, %swap3A_45], %select_n3A_43 {strides = array<i32>} : memref<64x10240xf32, #tpu.memory_space<vmem>>, vector<64x10240xf32>,
      scf.yield %select_n3A_38 : vector<64x32xi32>
    }
    %scan3A_17 = arith.constant 32 : i32
    %swap3A_18 = arith.constant 0 : index
    %swap3A_19 = arith.constant 0 : index
    %swap3A_20 = vector.load %arg3[%swap3A_18, %swap3A_19] : memref<64x32xi32, #tpu.memory_space<vmem>>, vector<64x32xi32>
    tpu.vector_store %arg3[%swap3A_18, %swap3A_19], %scan3A_16 {strides = array<i32>} : memref<64x32xi32, #tpu.memory_space<vmem>>, vector<64x32xi32>,
    return
  }
  func.func @transform_0(%arg0: i32) -> (i32, i32) {
    %c0_i32 = arith.constant 0 : i32
    %c0_i32_0 = arith.constant 0 : i32
    return %arg0, %c0_i32 : i32, i32
  }
  func.func @transform_1(%arg0: i32) -> (i32, i32) {
    %c0_i32 = arith.constant 0 : i32
    %c0_i32_0 = arith.constant 0 : i32
    %c0_i32_1 = arith.constant 0 : i32
    return %c0_i32, %c0_i32_0 : i32, i32
  }
  func.func @transform_2(%arg0: i32) -> (i32, i32) {
    %c0_i32 = arith.constant 0 : i32
    %c0_i32_0 = arith.constant 0 : i32
    return %arg0, %c0_i32 : i32, i32
  }
}

</mosaic_0001>

<sc_bundles>
// kernel: gather_offload_async_start
scs
__scs_entry_jumppad:
0x0: {  	(pc) =	sbr.rel $0x88, $3  }
0x1: {  	(tag) =	ssettag $0x0;
	lr =	simm.s32 $0x1  }
0x2: {  	[smem:$0x3F99] =	sst lr;
	_ =	strace $0xD0000000  }
0x3: {  	_ = 	snop  }
0x4: {  	_ = 	snop  }
0x5: {  	_ = 	snop  }
0x6: {  	_ = 	snop  }
0x7: {  	_ = 	snop  }
__scs_overlays_trampoline_lowered:
0x8: {  	[smem:$0x3FA8] =	sst s0  }
0x9: {  	[smem:$0x3FA9] =	sst s1  }
0xa: {  	[smem:$0x3FAA] =	sst s2  }
0xb: {  	[smem:$0x3FAB] =	sst s3  }
0xc: {  	[smem:$0x3FAC] =	sst s4  }
0xd: {  	[smem:$0x3FAD] =	sst s5  }
0xe: {  	[smem:$0x3FAE] =	sst s6  }
0xf: {  	[smem:$0x3FAF] =	sst s7  }
0x10: {  	[smem:$0x3FB0] =	sst s8  }
0x11: {  	[smem:$0x3FB1] =	sst s9;
	s0 =	simm.s32 @!p0 $0x0  }
0x12: {  	s1 =	sld [smem:$0x3F97];
	s0 =	simm.s32 @p0 $0x1  }
0x13: {  	[smem:$0x3FB2] =	sst s0;
	s0 =	simm.s32 @!p1 $0x0  }
0x14: {  	s2 =	sld [smem:$0x3F96];
	s0 =	simm.s32 @p1 $0x1  }
0x15: {  	[smem:$0x3FB3] =	sst s0;
	s0 =	simm.s32 @!p2 $0x0  }
0x16: {  	s3 =	sld [smem:$0x3FDB];
	s0 =	simm.s32 @p2 $0x1  }
0x17: {  	s4 =	simm.s32 $0x1BF5;
	[smem:$0x3FB5] =	sst s0  }
0x18: {  	s0 =	sld [smem:$0x3F98];
	_ =	swait.ge [sflag:s4], $0x0  }
0x19: {  	s7 =	sld [smem:$0x3F99]  }
0x1a: {  	s8 =	sadd.s32 $0xFFFFE003, lr  }
0x1b: {  	s9 =	sadd.s32 $0xFFFFFEF7, lr;
	s5 =	simm.s32 $0xFFFFFFFF;
	p2 =	slt.u32 s8, $0xFFFFF086  }
0x1c: {  	p1 =	slt.u32 s9, $0xF7A;
	s5 =	simm.s32 @!p2 $0x0  }
0x1d: {  	s5 =	simm.s32 @p1 $0x1;
	p0 =	seq.s32 s7, s2  }
0x1e: {  	s7 =	smul.u32 @!p0 $0xF7A, s2;
	p2 =	seq.s32 @!p0 s5, $0x0  }
0x1f: {  	s9 =	smul.u32 $0xF7A, s1;
	s8 =	simm.s32 @!p0 $0x1BF5;
	p2 =	por !p2, p0  }
0x20: {  	[sflag:s8] =	ssyncset.s32 @!p0 $0xFFFFF086;
	s6 =	sadd.s32 @!p0 s3, s7;
	s7 =	simm.s32 @!p0 $0x108  }
0x21: {  	s3 =	sadd.s32 s3, s9;
	s6 =	sadd.s32 @!p0 $0x88, s6;
	s7 =	simm.s32 @p2 $0x1082  }
0x22: {  	[simem:s7], [sflag:s8] =	dma.local @!p0 [hbm:s6], $0xF7A  }
0x23: {  	s9 =	sor.u32 $0xD0000000, s2;
	s6 =	simm.s32 $0x108;
	_ =	swait.ge @!p0 [sflag:s8], $0x0  }
0x24: {  	s3 =	sadd.s32 $0x88, s3;
	s6 =	simm.s32 @!p1 $0x1082;
	[sflag:s4] =	ssyncset.s32 $0xFFFFF086  }
0x25: {  	[simem:s6], [sflag:s4] =	dma.local [hbm:s3], $0xF7A  }
0x26: {  	[smem:$0x3F99] =	sst s1;
	(tag) =	ssettag s2;
	_ =	strace s9  }
0x27: {  	s1 =	sld [smem:$0x3FA9]  }
0x28: {  	s2 =	sld [smem:$0x3FAA]  }
0x29: {  	s4 =	sld [smem:$0x3FAC]  }
0x2a: {  	p0 =	seq.s32 s5, $0x0;
	s5 =	sld [smem:$0x3FAD]  }
0x2b: {  	s6 =	sld [smem:$0x3FAE]  }
0x2c: {  	s7 =	sld [smem:$0x3FAF]  }
0x2d: {  	s3 =	simm.s32 $0x108;
	s8 =	sld [smem:$0x3FB0]  }
0x2e: {  	s3 =	simm.s32 @!p0 $0x1082;
	s9 =	sld [smem:$0x3FB1]  }
0x2f: {  	lr =	sadd.s32 s0, s3;
	s0 =	sld [smem:$0x3FA8]  }
0x30: {  	s3 =	sld [smem:$0x3FAB]  }
0x31: {  	[smem:$0x3FB4] =	sst s10  }
0x32: {  	s10 =	sld [smem:$0x3FB2];
	_ =	sdelay $0x3  }
0x33: {  	p0 =	seq.s32 s10, $0x1;
	s10 =	sld [smem:$0x3FB4];
	_ =	sdelay $0x3  }
0x34: {  	[smem:$0x3FB4] =	sst s10  }
0x35: {  	s10 =	sld [smem:$0x3FB3];
	_ =	sdelay $0x3  }
0x36: {  	p1 =	seq.s32 s10, $0x1;
	s10 =	sld [smem:$0x3FB4];
	_ =	sdelay $0x3  }
0x37: {  	[smem:$0x3FB4] =	sst s10  }
0x38: {  	s10 =	sld [smem:$0x3FB5]  }
0x39: {  	_ = 	snop;
	(pc) =	sbr.ind lr, $3  }
0x3a: {  	_ = 	snop  }
0x3b: {  	_ = 	snop  }
0x3c: {  	p2 =	seq.s32 s10, $0x1;
	s10 =	sld [smem:$0x3FB4]  }
0x3d: {  	_ =	shalt  }
0x3e: {  	_ =	shalt  }
0x3f: {  	_ =	shalt  }
0x40: {  	_ =	shalt  }
0x41: {  	_ =	shalt  }
0x42: {  	_ =	shalt  }
0x43: {  	_ =	shalt  }
0x44: {  	_ =	shalt  }
0x45: {  	_ =	shalt  }
0x46: {  	_ =	shalt  }
0x47: {  	_ =	shalt  }
0x48: {  	_ =	shalt  }
0x49: {  	_ =	shalt  }
0x4a: {  	_ =	shalt  }
0x4b: {  	_ =	shalt  }
0x4c: {  	_ =	shalt  }
0x4d: {  	_ =	shalt  }
0x4e: {  	_ =	shalt  }
0x4f: {  	_ =	shalt  }
0x50: {  	_ =	shalt  }
0x51: {  	_ =	shalt  }
0x52: {  	_ =	shalt  }
0x53: {  	_ =	shalt  }
0x54: {  	_ =	shalt  }
0x55: {  	_ =	shalt  }
0x56: {  	_ =	shalt  }
0x57: {  	_ =	shalt  }
0x58: {  	_ =	shalt  }
0x59: {  	_ =	shalt  }
0x5a: {  	_ =	shalt  }
0x5b: {  	_ =	shalt  }
0x5c: {  	_ =	shalt  }
0x5d: {  	_ =	shalt  }
0x5e: {  	_ =	shalt  }
0x5f: {  	_ =	shalt  }
0x60: {  	_ =	shalt  }
0x61: {  	_ =	shalt  }
0x62: {  	_ =	shalt  }
0x63: {  	_ =	shalt  }
0x64: {  	_ =	shalt  }
0x65: {  	_ =	shalt  }
0x66: {  	_ =	shalt  }
0x67: {  	_ =	shalt  }
0x68: {  	_ =	shalt  }
0x69: {  	_ =	shalt  }
0x6a: {  	_ =	shalt  }
0x6b: {  	_ =	shalt  }
0x6c: {  	_ =	shalt  }
0x6d: {  	_ =	shalt  }
0x6e: {  	_ =	shalt  }
0x6f: {  	_ =	shalt  }
0x70: {  	_ =	shalt  }
0x71: {  	_ =	shalt  }
0x72: {  	_ =	shalt  }
0x73: {  	_ =	shalt  }
0x74: {  	_ =	shalt  }
0x75: {  	_ =	shalt  }
0x76: {  	_ =	shalt  }
0x77: {  	_ =	shalt  }
0x78: {  	_ =	shalt  }
0x79: {  	_ =	shalt  }
0x7a: {  	_ =	shalt  }
0x7b: {  	_ =	shalt  }
0x7c: {  	_ =	shalt  }
0x7d: {  	_ =	shalt  }
0x7e: {  	_ =	shalt  }
0x7f: {  	_ =	shalt  }
0x80: {  	_ =	shalt  }
0x81: {  	_ =	shalt  }
0x82: {  	_ =	shalt  }
0x83: {  	_ =	shalt  }
0x84: {  	_ =	shalt  }
0x85: {  	_ =	shalt  }
0x86: {  	_ =	shalt  }
0x87: {  	_ =	shalt  }
.Lfunc_end0:
.L_simem_size_0:
called_computation_lowered:
.L_overlay_start_0:
0x88: {  	s0 =	sld [smem:$0x3FD9]  }
0x89: {  	s1 =	sld [smem:$0x3FFE];
	_ =	sdelay $0x3  }
0x8a: {  	s0 =	sadd.s32 s1, s0  }
0x8b: {  	[smem:$0x3FC0] =	sst s0  }
0x8c: {  	_ = 	snop  }
0x8d: {  	s0 =	sld [smem:$0x3FD0];
	(tm) =	ssettm $0x1  }
0x8e: {  	s16 =	sld [smem:$0x3FFB];
	_ =	sdelay $0x3  }
0x8f: {  	_ =	strace s16  }
0x90: {  	s1 =	sld [smem:$0x3FFC];
	_ =	sdelay $0x3  }
0x91: {  	_ =	strace s1  }
0x92: {  	s1 =	sld [smem:$0x3FFD];
	_ =	sdelay $0x3  }
0x93: {  	_ =	strace s1  }
0x94: {  	_ =	strace $0x8FFFFFFF  }
0x95: {  	s17 =	sld [smem:$0x3FDB];
	_ =	sdelay $0x1  }
0x96: {  	s2 =	simm.s32 $_scs_section_size  }
0x97: {  	s3 =	simm.s32 $_size__tile_overlayer_lowered;
	s4 =	simm.s32 $_tile_overlayer_lowered  }
0x98: {  	s20 =	simm.s32 $0x1BFF;
	s19 =	sshll.u32 s4, $0x1;
	s1 =	sadd.s32 s2, s17  }
0x99: {  	s5 =	simm.s32 $0x0;
	s18 =	sshll.u32 s3, $0x1;
	s3 =	sadd.s32 s19, s1  }
0x9a: {  	[timem:s5], [sflag:s20] =	dma.local [hbm:s3], s18  }
0x9b: {  	_ =	swait.ge [sflag:s20], s18  }
0x9c: {  	s2 =	ssub.s32 $0x0, s18;
	[sflag:s20] =	ssyncset.done $0x0  }
0x9d: {  	[sflag:s20] =	ssyncadd.s32 s2;
	_ =	sdelay $0x1  }
0x9e: {  	s21 =	simm.s32 $0x1B8B  }
0x9f: {  	_ =	swait.ge [sflag:s21], $0x1  }
0xa0: {  	[sflag:s21] =	ssyncset.done $0x0  }
0xa1: {  	s23 =	simm.s32 $0x1B8E;
	s22 =	sld [smem:$0x3FFE];
	[sflag:s21] =	ssyncadd.s32 $0xFFFFFFFF  }
0xa2: {  	s24 =	simm.s32 $execute0_lowered;
	[smem:$0x3FD2] =	sst s23  }
0xa3: {  	s3 =	sshll.u32 s24, $0x1;
	_ =	strace $0x80000046;
	[dreg:$0x1] =	wrdreg $0xFFFFFFFF  }
0xa4: {  	s25 =	simm.s32 $_size_execute0_lowered;
	s1 =	sadd.s32 s1, s3;
	[dreg:$0x0] =	wrdreg $0x0  }
0xa5: {  	s3 =	sshll.u32 s25, $0x1;
	[dreg:$0x2] =	wrdreg s1  }
0xa6: {  	[dreg:$0x3] =	wrdreg s3  }
0xa7: {  	[dreg:$0x4] =	wrdreg $0xC0  }
0xa8: {  	_ =	task [dreg:s5], $0x5FFFF  }
0xa9: {  	[dreg:$0x1] =	wrdreg $0xFFFFFFFF  }
0xaa: {  	[dreg:$0x0] =	wrdreg $0x60  }
0xab: {  	[dreg:$0x2] =	wrdreg s0  }
0xac: {  	[dreg:$0x3] =	wrdreg s22  }
0xad: {  	[dreg:$0x4] =	wrdreg $0x9  }
0xae: {  	_ =	task.clear_ibuf [dreg:s5], $0x5FFFF;
	_ =	strace $0x90000046  }
0xaf: {  	s26 =	simm.s32 $0x9;
	_ =	strace $0x80000048  }
0xb0: {  	_ =	swait.ge [sflag:s26], $0x1  }
0xb1: {  	[sflag:s26] =	ssyncadd.s32 $0xFFFFFFFF  }
0xb2: {  	_ =	strace $0x90000048  }
0xb3: {  	_ =	sfence  }
0xb4: {  	s28 =	sld [smem:$0x0];
	_ =	sdelay $0x1  }
0xb5: {  	s29 =	srdreg.scid  }
0xb6: {  	s30 =	sshll.u32 s29, $0xD;
	s31 =	sshrl.u32 s29, $0x2  }
0xb7: {  	s2 =	sand.u32 $0x4000, s30;
	s1 =	sand.u32 $0x1, s29;
	s0 =	sadd.s32 s31, s28  }
0xb8: {  	s1 =	sor.u32 s2, s1;
	s0 =	sshll.u32 s0, $0x11  }
0xb9: {  	s0 =	sor.u32 s0, s1  }
0xba: {  	s0 =	sadd.s32 $0x8F2B, s0  }
0xbb: {  	[sflag:s0] =	ssyncadd.remote.s32 $0x1  }
0xbc: {  	_ =	sfence.sel $0xFFFF  }
0xbd: {  	[dreg:$0x0] =	wrdreg $0xFFFFFFFF;
	(pc) =	sbr.abs _section_cstart, $3  }
0xbe: {  	[dreg:$0x1] =	wrdreg $0xFFFFFFFF  }
0xbf: {  	_ =	task.clear_ibuf [dreg:s5], $0x2FFFF;
	_ =	strace $0x9FFFFFFF  }
0xc0: {  	(tm) =	ssettm $0x7FFFFFFF  }
0xc1: {  	_ =	shalt  }
tec
execute0_lowered:
.L_overlay_start_1:
0x0: {  	(tag) =	ssettag $0x1  }
0x1: {  	s0 =	stileid.u32  }
0x2: {  	s1 =	smin.u32 s0, $0x9  }
0x3: {  	s1 =	sadd.s32 s0, s1  }
0x4: {  	s2 =	simm.s32 $0x320;
	p0 =	slt.u32 s0, $0x9;
	s1 =	smul.u32 $0x190, s1  }
0x5: {  	s2 =	simm.s32 @!p0 $0x190  }
0x6: {  	s2 =	sadd.s32 s2, s1  }
0x7: {  	s3 =	smin.u32 s2, $0x2710  }
0x8: {  	s7 =	ssub.s32 s3, s1  }
0x9: {  	p0 =	sgt.s32 s7, $0x0  }
0xa: {  	s7 =	simm.s32 @!p0 $0x0  }
0xb: {  	s31 =	sand.u32 $0xFFF0, s7  }
0xc: {  	s2 =	sshrl.u32 s31, $0x4  }
0xd: {  	s4 =	rddreg [dreg:$0x0];
	s2 =	smul.u32 $0xA3E, s2  }
0xe: {  	s5 =	rddreg [dreg:$0x1]  }
0xf: {  	s6 =	simm.s32 $0x1;
	s10 =	simm.s32 $0x3;
	s8 =	sshrl.u32 s2, $0x10  }
0x10: {  	s13 =	simm.s32 $0x0;
	s12 =	simm.s32 $0x0;
	s9 =	smul.u32 $0x190, s8  }
.Ltmp0:
0x11: {  	s11 =	smov.u32 s1;
	s2 =	rddreg [dreg:$0x2];
	(pc) =	sbr.rel .LBB2_1-.Ltmp0, $4  }
0x12: {  	_ =	strace $0x80000047;
	p0 =	sne.s32 s7, s9;
	s9 =	simm.s32 $0x1  }
0x13: {  	[sflag:s6] =	ssyncpa.u1 $0x0;
	s7 =	simm.s32 $0x2;
	s9 =	simm.s32 @!p0 $0x0  }
0x14: {  	[sflag:s7] =	ssyncpa.u1 $0x0;
	p0 =	por $0x0, $0x0;
	s8 =	sadd.s32 s8, s9  }
0x15: {  	vm0 =	vmmov $0xff;
	vm1 =	vcmask $0x3F20;
	s9 =	sadd.s32 $0x600, s5;
	[sflag:s10] =	ssyncpa.u1 $0x0;
	s10 =	sadd.s32 $0x1, s8  }
.LBB2_6:
0x16: {  	[hbm:s17] =	stream.linear.scatter [tilespmem:s14], [sflag:$0x3], $0x400, $0x38;
	[tilespmem:$0x19320] =	vst v63  }
.LBB2_7:
0x17: {  	s13 =	sadd.s32 $0x190, s11  }
0x18: {  	s15 =	smov.u32 s1;
	p2 =	slt.s32 s13, s3  }
0x19: {  	s15 =	smov.u32 @p2 s13;
	p2 =	sne.s32 s12, s10  }
.Ltmp1:
0x1a: {  	p1 =	slt.u32 s12, $0x2;
	(pc) =	sbr.rel @!p2 .LBB2_8-.Ltmp1, $4  }
0x1b: {  	s14 =	simm.s32 @!p1 $0x3  }
0x1c: {  	s16 =	sadd.s32 $0x1, s12;
	_ =	swait.ge @!p1 [sflag:s14], $0xC800  }
0x1d: {  	p0 =	por !p0, !p0;
	s13 =	smov.u32 s11;
	[sflag:s14] =	ssyncset.done @!p1 $0x0  }
0x1e: {  	s12 =	smov.u32 s16;
	s11 =	smov.u32 s15;
	[sflag:s14] =	ssyncadd.s32 @!p1 $0xFFFF3800  }
.LBB2_1:
0x1f: {  	p1 =	sge.u32 s12, s8  }
0x20: {  	s14 =	sxor.u32 @!p1 $0xFFFFFFFF, s12  }
0x21: {  	s14 =	sand.u32 @!p1 $0x1, s14  }
0x22: {  	s14 =	smul.u32 @!p1 $0x640, s14  }
0x23: {  	s31 =	sadd.s32 $0xFFFFFFFF, s12;
	s15 =	sshrl.u32 @!p1 s11, $0x3  }
0x24: {  	s16 =	sand.u32 @!p1 $0x7, s11;
	s15 =	sadd.s32 @!p1 s5, s15;
	s14 =	sshrl.u32 @!p1 s14, $0x2  }
0x25: {  	[tilespmem:s14], [sflag:$0x2] =	stream.linear.gather @!p1 [hbm4b:s15+s16], $0x190, $0x38;
	[tilespmem:$0x19320] =	vst v63  }
0x26: {  	p1 =	sge.u32 s31, s8  }
.Ltmp2:
0x27: {  	_ = 	snop;
	(pc) =	sbr.rel @p1 .LBB2_7-.Ltmp2, $1  }
0x28: {  	_ =	sdelay $0x3  }
0x29: {  	s14 =	simm.s32 $0x1  }
0x2a: {  	s14 =	simm.s32 @!p0 $0x0  }
0x2b: {  	s15 =	smul.u32 $0x640, s14  }
0x2c: {  	_ =	swait.ge [sflag:s7], $0x190  }
0x2d: {  	[sflag:s7] =	ssyncset.done $0x0;
	s16 =	sshrl.u32 s15, $0x2  }
0x2e: {  	[sflag:s7] =	ssyncadd.s32 $0xFFFFFE70;
	s15 =	sadd.s32 $0x0, s16  }
0x2f: {  	v0 =	vld.msk [tilespmem:s15+$0x0 ss:$0x1], $0xffff;
	_ =	sdelay $0x4  }
0x30: {  	vm2 =	vgt.s32 v0, $0x0  }
0x31: {  	v0 =	vnsel vm2, $0x0, v0  }
0x32: {  	v0 =	vmin.u32 v0, $0x270F  }
0x33: {  	v0 =	vshll.u32 v0, $0x4  }
0x34: {  	s14 =	smul.u32 $0x32000, s14;
	_ =	sdelay $0x1  }
0x35: {  	s14 =	sshrl.u32 s14, $0x2  }
0x36: {  	s14 =	sor.u32 $0x320, s14  }
0x37: {  	[tilespmem:s14], [sflag:$0x1] =	stream.indirect_vreg.gather [hbm:s4], $0x80, v0, vm0, $0x38;
	[tilespmem:$0x19320] =	vst v63  }
0x38: {  	s17 =	sadd.s32 $0x10, s16;
	s15 =	sadd.s32 $0x400, s14  }
0x39: {  	[tilespmem:s15], [sflag:$0x1] =	stream.indirect_vreg.gather [hbm:s4], $0x80, v0, vm1, $0x38;
	[tilespmem:$0x19320] =	vst v63  }
0x3a: {  	s18 =	simm.s32 $0x80;
	v0 =	vld.msk [tilespmem:s17+$0x0 ss:$0x1], $0xffff;
	s17 =	smov.u32 s14  }
.LBB2_3:
0x3b: {  	p1 =	sne.s32 s18, $0x600;
	_ =	sdelay $0x4  }
0x3c: {  	vm2 =	vgt.s32 v0, $0x0  }
0x3d: {  	v0 =	vnsel vm2, $0x0, v0  }
0x3e: {  	v0 =	vmin.u32 v0, $0x270F  }
0x3f: {  	v0 =	vshll.u32 v0, $0x4;
	_ =	sdelay $0x3  }
.Ltmp3:
0x40: {  	s19 =	sshra.s32 s18, $0x2;
	s17 =	sadd.s32 $0x800, s17;
	(pc) =	sbr.rel @p1 .LBB2_3-.Ltmp3, $4  }
0x41: {  	[tilespmem:s17], [sflag:$0x1] =	stream.indirect_vreg.gather [hbm:s4], $0x80, v0, vm0, $0x38;
	[tilespmem:$0x19320] =	vst v63  }
0x42: {  	s19 =	sadd.s32 s19, s16;
	s20 =	sadd.s32 $0x400, s17  }
0x43: {  	[tilespmem:s20], [sflag:$0x1] =	stream.indirect_vreg.gather [hbm:s4], $0x80, v0, vm1, $0x38;
	[tilespmem:$0x19320] =	vst v63  }
0x44: {  	s18 =	sadd.s32 $0x40, s18;
	v0 =	vld.msk [tilespmem:s19+$0x0 ss:$0x1], $0xffff  }
0x45: {  	_ =	sdelay $0x3  }
0x46: {  	vm2 =	vgt.s32 v0, $0x0  }
0x47: {  	v0 =	vnsel vm2, $0x0, v0  }
0x48: {  	v0 =	vmin.u32 v0, $0x270F  }
0x49: {  	v0 =	vshll.u32 v0, $0x4;
	_ =	sdelay $0x3  }
0x4a: {  	s16 =	sadd.s32 $0x800, s17  }
0x4b: {  	[tilespmem:s16], [sflag:$0x1] =	stream.indirect_vreg.gather [hbm:s4], $0x80, v0, vm0, $0x38;
	[tilespmem:$0x19320] =	vst v63  }
0x4c: {  	s16 =	sadd.s32 $0x400, s16  }
0x4d: {  	[tilespmem:s16], [sflag:$0x1] =	stream.indirect_vreg.gather [hbm:s4], $0x80, v0, vm1, $0x38;
	[tilespmem:$0x19320] =	vst v63  }
0x4e: {  	s13 =	sshll.u32 s13, $0x4;
	_ =	swait.ge [sflag:s6], $0xC800  }
0x4f: {  	s13 =	sadd.s32 s13, s9;
	[sflag:s6] =	ssyncset.done $0x0  }
0x50: {  	s17 =	sadd.s32 $0x0, s13;
	s16 =	simm.s32 $0x80;
	[sflag:s6] =	ssyncadd.s32 $0xFFFF3800  }
.LBB2_5:
0x51: {  	[hbm:s17] =	stream.linear.scatter [tilespmem:s14], [sflag:$0x3], $0x400, $0x38;
	[tilespmem:$0x19320] =	vst v63  }
0x52: {  	s17 =	smov.u32 s16;
	s14 =	smov.u32 s15;
	p1 =	sne.s32 s16, $0x1880  }
.Ltmp4:
0x53: {  	s16 =	sadd.s32 $0x80, s16;
	(pc) =	sbr.rel @p1 .LBB2_5-.Ltmp4, $2  }
0x54: {  	_ =	sdelay $0x2  }
0x55: {  	s15 =	sadd.s32 $0x400, s15;
	s17 =	sadd.s32 s17, s13  }
.Ltmp5:
0x56: {  	_ = 	snop;
	(pc) =	sbr.rel .LBB2_6-.Ltmp5, $1  }
0x57: {  	_ =	sdelay $0x3  }
.LBB2_8:
0x58: {  	_ =	sfence.sel $0x180000  }
0x59: {  	s1 =	simm.s32 $0x2;
	[bflag:$0x0] =	sbarrier.arrive $0xFFFF  }
0x5a: {  	s30 =	simm.s32 $0x3;
	[sflag:s1] =	ssyncpa.u1 $0x1  }
0x5b: {  	s31 =	simm.s32 $0x1;
	[sflag:s30] =	ssyncpa.u1 $0x1  }
0x5c: {  	[sflag:s31] =	ssyncpa.u1 $0x1  }
0x5d: {  	p0 =	sne.s32 s0, $0x0;
	_ =	strace $0x90000047  }
0x5e: {  	s0 =	sadd.s32 @!p0 $0x100000, s2;
	[bflag:$0x2] =	sbarrier.arrive $0xFFFF  }
0x5f: {  	[sflag:s0] =	ssyncadd.tile.s32 @!p0 $0x1;
	_ =	shalt  }
.Lfunc_end2:
_tile_overlayer_lowered:
.L_overlay_start_2:
0x60: {  	(tag) =	ssettag $0x2  }
0x61: {  	s0 =	rddreg [dreg:$0x0];
	s2 =	stileid.u32  }
0x62: {  	s1 =	rddreg [dreg:$0x1];
	p0 =	sne.s32 s2, $0x0  }
0x63: {  	s3 =	rddreg [dreg:$0x2];
	[bflag:$0x3] =	sbarrier.arrive $0xFFFF;
	s2 =	simm.s32 @!p0 $0x1C01  }
0x64: {  	[timem:s3], [sflag:s2] =	dma.local @!p0 [hbm:s0], s1  }
0x65: {  	s0 =	simm.s32 @!p0 $0x1  }
0x66: {  	_ =	swait.ge @!p0 [sflag:s0], s1  }
0x67: {  	s1 =	ssub.s32 @!p0 $0x0, s1;
	[sflag:s0] =	ssyncset.done @!p0 $0x0  }
0x68: {  	[sflag:s0] =	ssyncadd.s32 @!p0 s1  }
0x69: {  	[bflag:$0x3] =	sbarrier.arrive $0xFFFF  }
0x6a: {  	_ =	shalt  }

</sc_bundles>
